<compile_context>
chip_gen: v7x
topology: tpu7x:2x2x1
jax: 0.10.2.dev20260603
libtpu: 0.0.44.dev20260713+nightly
codegen_flags: <defaults>
</compile_context>

<pallas_src>
import dataclasses
import functools

import jax
import jax.numpy as jnp
from jax import lax
from jax.experimental import pallas as pl
from jax.experimental.pallas import tpu as pltpu
from jax.experimental.pallas import tpu_sc as plsc

N = 10000
D = 128
E = 320000

NC = 2
NS = 16
NW = NC * NS

NPAD = 10240
NB = NPAD // 128
CH = 128
EPAD = NW * 80 * CH
RPT = EPAD // (NW * CH)
ZB = NPAD // (NS * CH)


def _sc_mesh():
    return plsc.VectorSubcoreMesh(
        core_axis_name="c", subcore_axis_name="s", num_cores=NC, num_subcores=NS
    )


def _sc_compiler_params():
    cp = pltpu.CompilerParams()
    if "needs_layout_passes" in pltpu.CompilerParams.__dataclass_fields__:
        cp = dataclasses.replace(cp, needs_layout_passes=False)
    return cp


@jax.jit
def _sc_degrees(src1d, dst1d):
    @functools.partial(
        pl.kernel,
        out_type=(
            jax.ShapeDtypeStruct((NW, NB, 128), jnp.float32),
            jax.ShapeDtypeStruct((NW, NB, 128), jnp.float32),
        ),
        mesh=_sc_mesh(),
        compiler_params=_sc_compiler_params(),
        scratch_types=[
            pltpu.VMEM((CH,), jnp.int32),
            pltpu.VMEM((CH,), jnp.int32),
            pltpu.VMEM((NB, 128), jnp.float32),
            pltpu.VMEM((NB, 128), jnp.float32),
        ],
    )
    def deg_kernel(src_hbm, dst_hbm, odeg_hbm, ideg_hbm,
                   svec, dvec, hist_o, hist_i):
        cid = lax.axis_index("c")
        sid = lax.axis_index("s")
        tile = cid * NS + sid

        @pl.loop(0, NB)
        def _(i):
            @pl.loop(0, 128, step=16)
            def _(j):
                z = jnp.zeros((16,), jnp.float32)
                hist_o[i, pl.ds(j, 16)] = z
                hist_i[i, pl.ds(j, 16)] = z

        ones16 = jnp.ones((16,), jnp.float32)

        @pl.loop(0, RPT)
        def _(b):
            base = (tile * RPT + b) * CH
            pltpu.sync_copy(src_hbm.at[pl.ds(base, CH)], svec)
            pltpu.sync_copy(dst_hbm.at[pl.ds(base, CH)], dvec)
            for k in range(CH // 16):
                s16 = svec[pl.ds(k * 16, 16)]
                d16 = dvec[pl.ds(k * 16, 16)]
                plsc.addupdate_scatter(hist_o, [s16 >> 7, s16 & 127], ones16)
                plsc.addupdate_scatter(hist_i, [d16 >> 7, d16 & 127], ones16)

        pltpu.sync_copy(hist_o, odeg_hbm.at[tile])
        pltpu.sync_copy(hist_i, ideg_hbm.at[tile])

    return deg_kernel(src1d, dst1d)


@jax.jit
def _sc_aggregate(h, src1d, dst1d, rows1d, zeros_h):
    @functools.partial(
        pl.kernel,
        out_type=jax.ShapeDtypeStruct((NC, NPAD, D), jnp.float32),
        mesh=_sc_mesh(),
        scratch_types=[
            pltpu.VMEM((CH,), jnp.int32),
            pltpu.VMEM((CH,), jnp.int32),
            pltpu.VMEM((CH,), jnp.int32),
            pltpu.VMEM((CH, D), jnp.float32),
            pltpu.VMEM_SHARED((NPAD, D), jnp.float32),
        ],
    )
    def agg_kernel(h_hbm, src_hbm, dst_hbm, rows_hbm, zeros_hbm, out_hbm,
                   svec, dvec, rowvec, rows_v, acc):
        cid = lax.axis_index("c")
        sid = lax.axis_index("s")
        tile = cid * NS + sid

        pltpu.sync_copy(zeros_hbm, rows_v)

        @pl.loop(0, ZB)
        def _(j):
            pltpu.sync_copy(rows_hbm.at[pl.ds((sid * ZB + j) * CH, CH)], rowvec)
            pltpu.sync_copy(rows_v, acc.at[rowvec])

        plsc.subcore_barrier()

        @pl.loop(0, RPT)
        def _(b):
            base = (tile * RPT + b) * CH
            pltpu.sync_copy(src_hbm.at[pl.ds(base, CH)], svec)
            pltpu.sync_copy(dst_hbm.at[pl.ds(base, CH)], dvec)
            pltpu.sync_copy(h_hbm.at[svec], rows_v)
            pltpu.sync_copy(rows_v, acc.at[dvec], add=True)

        plsc.subcore_barrier()

        @pl.loop(0, ZB)
        def _(j):
            pltpu.sync_copy(rows_hbm.at[pl.ds((sid * ZB + j) * CH, CH)], rowvec)
            pltpu.sync_copy(acc.at[rowvec], rows_v)
            pltpu.sync_copy(rows_v, out_hbm.at[cid, pl.ds((sid * ZB + j) * CH, CH)])

    return agg_kernel(h, src1d, dst1d, rows1d, zeros_h)


@jax.jit
def _tc_scales(odeg, ideg):

    def body(od_ref, id_ref, so_ref, si_ref):
        so = lax.rsqrt(jnp.maximum(jnp.sum(od_ref[...], axis=0), 1.0))
        si = lax.rsqrt(jnp.maximum(jnp.sum(id_ref[...], axis=0), 1.0))
        so_ref[...] = so.reshape(NB, 1, 128)
        si_ref[...] = si.reshape(NB, 1, 128)

    return pl.pallas_call(
        body,
        out_shape=(
            jax.ShapeDtypeStruct((NB, 1, 128), jnp.float32),
            jax.ShapeDtypeStruct((NB, 1, 128), jnp.float32),
        ),
    )(odeg, ideg)


@jax.jit
def _tc_in_matmul(x_pad, so, eye, W1):

    def body(x_ref, s_ref, e_ref, w_ref, o_ref):
        diag = e_ref[...] * s_ref[0]
        xs = jnp.dot(diag, x_ref[...], preferred_element_type=jnp.float32)
        o_ref[...] = jnp.dot(xs, w_ref[...], preferred_element_type=jnp.float32)

    return pl.pallas_call(
        body,
        grid=(NB,),
        in_specs=[
            pl.BlockSpec((128, D), lambda i: (i, 0)),
            pl.BlockSpec((1, 1, 128), lambda i: (i, 0, 0)),
            pl.BlockSpec((D, D), lambda i: (0, 0)),
            pl.BlockSpec((D, D), lambda i: (0, 0)),
        ],
        out_specs=pl.BlockSpec((128, D), lambda i: (i, 0)),
        out_shape=jax.ShapeDtypeStruct((NPAD, D), jnp.float32),
    )(x_pad, so, eye, W1)


@jax.jit
def _tc_mid(agg1, si, so, eye, b1, W2):

    def body(a_ref, si_ref, so_ref, e_ref, b_ref, w_ref, o_ref):
        a = a_ref[0] + a_ref[1]
        diag_i = e_ref[...] * si_ref[0]
        y = jnp.maximum(
            jnp.dot(diag_i, a, preferred_element_type=jnp.float32) + b_ref[...],
            0.0,
        )
        diag_o = e_ref[...] * so_ref[0]
        ys = jnp.dot(diag_o, y, preferred_element_type=jnp.float32)
        o_ref[...] = jnp.dot(ys, w_ref[...], preferred_element_type=jnp.float32)

    return pl.pallas_call(
        body,
        grid=(NB,),
        in_specs=[
            pl.BlockSpec((NC, 128, D), lambda i: (0, i, 0)),
            pl.BlockSpec((1, 1, 128), lambda i: (i, 0, 0)),
            pl.BlockSpec((1, 1, 128), lambda i: (i, 0, 0)),
            pl.BlockSpec((D, D), lambda i: (0, 0)),
            pl.BlockSpec((1, D), lambda i: (0, 0)),
            pl.BlockSpec((D, D), lambda i: (0, 0)),
        ],
        out_specs=pl.BlockSpec((128, D), lambda i: (i, 0)),
        out_shape=jax.ShapeDtypeStruct((NPAD, D), jnp.float32),
    )(agg1, si, so, eye, b1, W2)


@jax.jit
def _tc_final(agg2, si, eye, b2):

    def body(a_ref, si_ref, e_ref, b_ref, o_ref):
        a = a_ref[0] + a_ref[1]
        diag_i = e_ref[...] * si_ref[0]
        o_ref[...] = (
            jnp.dot(diag_i, a, preferred_element_type=jnp.float32) + b_ref[...]
        )

    return pl.pallas_call(
        body,
        grid=(NB,),
        in_specs=[
            pl.BlockSpec((NC, 128, D), lambda i: (0, i, 0)),
            pl.BlockSpec((1, 1, 128), lambda i: (i, 0, 0)),
            pl.BlockSpec((D, D), lambda i: (0, 0)),
            pl.BlockSpec((1, D), lambda i: (0, 0)),
        ],
        out_specs=pl.BlockSpec((128, D), lambda i: (i, 0)),
        out_shape=jax.ShapeDtypeStruct((NPAD, D), jnp.float32),
    )(agg2, si, eye, b2)


def kernel(x, edge_index, W1, b1, W2, b2):
    x = x.astype(jnp.float32)
    src = edge_index[0].astype(jnp.int32)
    dst = edge_index[1].astype(jnp.int32)
    pad = jnp.full((EPAD - E,), NPAD - 1, jnp.int32)
    src1d = jnp.concatenate([src, pad])
    dst1d = jnp.concatenate([dst, pad])
    rows1d = jnp.arange(NPAD, dtype=jnp.int32)
    zeros_h = jnp.zeros((CH, D), jnp.float32)
    eye = jnp.eye(D, dtype=jnp.float32)
    x_pad = jnp.pad(x, ((0, NPAD - N), (0, 0)))

    odeg, ideg = _sc_degrees(src1d, dst1d)
    so, si = _tc_scales(odeg, ideg)
    h1 = _tc_in_matmul(x_pad, so, eye, W1)
    agg1 = _sc_aggregate(h1, src1d, dst1d, rows1d, zeros_h)
    h2 = _tc_mid(agg1, si, so, eye, b1.reshape(1, D), W2)
    agg2 = _sc_aggregate(h2, src1d, dst1d, rows1d, zeros_h)
    out = _tc_final(agg2, si, eye, b2.reshape(1, D))
    return out[:N]

# --- scband reference (transcript-rebuilt; emitter-appended) ---
"""Pipeline reference for scband-gcn-8632884265212 (READ-ONLY COPY).

The authoritative reference and input builder live on the scoring server;
editing this copy changes nothing except your own understanding.
"""

import jax, jax.numpy as jnp
import numpy as np

N = 10000
E = 320000
D_IN = 128
D_HID = 128
D_OUT = 128


def setup_inputs(seed: int = 0) -> dict:
    key = jax.random.key(seed)
    k1, k2, k3, k4, k5, k6 = jax.random.split(key, 6)
    x = jax.random.normal(k1, (N, D_IN), dtype=jnp.float32)
    edge_index = jax.random.randint(k2, (2, E), 0, N)
    # GraphConv weights (glorot-ish init) and biases per DGL GraphConv defaults
    W1 = jax.random.normal(k3, (D_IN, D_HID), dtype=jnp.float32) * (1.0 / np.sqrt(D_IN))
    b1 = jnp.zeros((D_HID,), dtype=jnp.float32)
    W2 = jax.random.normal(k4, (D_HID, D_OUT), dtype=jnp.float32) * (1.0 / np.sqrt(D_HID))
    b2 = jnp.zeros((D_OUT,), dtype=jnp.float32)
    return {"x": x, "edge_index": edge_index, "W1": W1, "b1": b1, "W2": W2, "b2": b2}


def _gcn_layer(x, src, dst, W, b, activation):
    # DGL GraphConv with norm='both', allow_zero_in_degree=True:
    #   h = D_out^{-1/2} x ; h = h W ; agg = A^T h (sum over incoming edges) ; agg = D_in^{-1/2} agg + b
    ones = jnp.ones((src.shape[0],), dtype=jnp.float32)
    out_deg = jax.ops.segment_sum(ones, src, num_segments=N)
    in_deg = jax.ops.segment_sum(ones, dst, num_segments=N)
    out_deg = jnp.maximum(out_deg, 1.0)  # clamp(min=1), zero-in-degree allowed
    in_deg = jnp.maximum(in_deg, 1.0)
    h = x * (out_deg ** -0.5)[:, None]
    h = h @ W
    msg = jnp.take(h, src, axis=0)          # gather over source nodes
    agg = jax.ops.segment_sum(msg, dst, num_segments=N)  # scatter-add to dst nodes
    agg = agg * (in_deg ** -0.5)[:, None]
    agg = agg + b
    if activation:
        agg = jax.nn.relu(agg)
    return agg


def reference(x, edge_index, W1, b1, W2, b2):
    # 2-layer GCN; dropout is identity in eval mode
    src = edge_index[0]
    dst = edge_index[1]
    h = _gcn_layer(x, src, dst, W1, b1, activation=True)
    h = _gcn_layer(h, src, dst, W2, b2, activation=False)
    return h

if __name__ == "__main__":
    import jax
    _d = setup_inputs()
    print(jax.jit(kernel)(*tuple(_d.values())))

</pallas_src>

<mosaic_0001>
#map = affine_map<(d0, d1) -> (0)>
#map1 = affine_map<(d0, d1) -> (0, 0, 0)>
module attributes {stable_mosaic.version = 14 : i64} {
  func.func @deg_kernel(%arg0: i32, %arg1: i32, %arg2: memref<327680xi32, #tpu.memory_space<hbm>>, %arg3: memref<327680xi32, #tpu.memory_space<hbm>>, %arg4: memref<32x80x128xf32, #tpu.memory_space<hbm>>, %arg5: memref<32x80x128xf32, #tpu.memory_space<hbm>>, %arg6: memref<128xi32, #tpu.memory_space<vmem>>, %arg7: memref<128xi32, #tpu.memory_space<vmem>>, %arg8: memref<80x128xf32, #tpu.memory_space<vmem>>, %arg9: memref<80x128xf32, #tpu.memory_space<vmem>>) attributes {dimension_semantics = [#tpu.dimension_semantics<core_parallel>, #tpu.dimension_semantics<subcore_parallel>], iteration_bounds = array<i64: 2, 16>, scalar_prefetch = 0 : i64, scratch_operands = 4 : i64, tpu.core_type = #tpu.core_type<sc_vector_subcore>, window_params = [{transform_indices = #map}, {transform_indices = #map}, {transform_indices = #map1}, {transform_indices = #map1}]} {
    %mul3A = arith.constant 16 : i32
    %mul3A_0 = arith.muli %arg0, %mul3A : i32
    %add3A = arith.addi %mul3A_0, %arg1 : i32
    %scan3A = arith.constant 0 : i32
    %scan3A_1 = arith.constant 80 : i32
    %scan3A_2 = arith.addi %scan3A, %scan3A_1 : i32
    %scan3A_3 = arith.constant 1 : i32
    scf.for %scan3A_11 = %scan3A to %scan3A_2 step %scan3A_3  : i32 {
      %mul3A_12 = arith.constant 1 : i32
      %mul3A_13 = arith.muli %scan3A_11, %mul3A_12 : i32
      %add3A_14 = arith.constant 0 : i32
      %add3A_15 = arith.addi %add3A_14, %mul3A_13 : i32
      %scan3A_16 = arith.constant 0 : i32
      %scan3A_17 = arith.constant 8 : i32
      %scan3A_18 = arith.addi %scan3A_16, %scan3A_17 : i32
      %scan3A_19 = arith.constant 1 : i32
      scf.for %scan3A_21 = %scan3A_16 to %scan3A_18 step %scan3A_19  : i32 {
        %mul3A_22 = arith.constant 16 : i32
        %mul3A_23 = arith.muli %scan3A_21, %mul3A_22 : i32
        %add3A_24 = arith.constant 0 : i32
        %add3A_25 = arith.addi %add3A_24, %mul3A_23 : i32
        %broadcast_in_dim3A_26 = arith.constant 0.000000e+00 : f32
        %broadcast_in_dim3A_27 = vector.broadcast %broadcast_in_dim3A_26 : f32 to vector<16xf32>
        %swap3A = arith.index_cast %add3A_15 : i32 to index
        %swap3A_28 = arith.index_cast %add3A_25 : i32 to index
        %swap3A_29 = tpu.vector_load %arg8[%swap3A, %swap3A_28] {strides = array<i32>} : memref<80x128xf32, #tpu.memory_space<vmem>>, vector<16xf32>,
        tpu.vector_store %arg8[%swap3A, %swap3A_28], %broadcast_in_dim3A_27 {strides = array<i32>} : memref<80x128xf32, #tpu.memory_space<vmem>>, vector<16xf32>,
        %swap3A_30 = arith.index_cast %add3A_15 : i32 to index
        %swap3A_31 = arith.index_cast %add3A_25 : i32 to index
        %swap3A_32 = tpu.vector_load %arg9[%swap3A_30, %swap3A_31] {strides = array<i32>} : memref<80x128xf32, #tpu.memory_space<vmem>>, vector<16xf32>,
        tpu.vector_store %arg9[%swap3A_30, %swap3A_31], %broadcast_in_dim3A_27 {strides = array<i32>} : memref<80x128xf32, #tpu.memory_space<vmem>>, vector<16xf32>,
      }
      %scan3A_20 = arith.constant 8 : i32
    }
    %scan3A_4 = arith.constant 80 : i32
    %broadcast_in_dim3A = arith.constant 1.000000e+00 : f32
    %broadcast_in_dim3A_5 = vector.broadcast %broadcast_in_dim3A : f32 to vector<16xf32>
    %scan3A_6 = arith.constant 0 : i32
    %scan3A_7 = arith.constant 80 : i32
    %scan3A_8 = arith.addi %scan3A_6, %scan3A_7 : i32
    %scan3A_9 = arith.constant 1 : i32
    scf.for %scan3A_11 = %scan3A_6 to %scan3A_8 step %scan3A_9  : i32 {
      %mul3A_12 = arith.constant 1 : i32
      %mul3A_13 = arith.muli %scan3A_11, %mul3A_12 : i32
      %add3A_14 = arith.constant 0 : i32
      %add3A_15 = arith.addi %add3A_14, %mul3A_13 : i32
      %mul3A_16 = arith.constant 80 : i32
      %mul3A_17 = arith.muli %add3A, %mul3A_16 : i32
      %add3A_18 = arith.addi %mul3A_17, %add3A_15 : i32
      %mul3A_19 = arith.constant 128 : i32
      %mul3A_20 = arith.muli %add3A_18, %mul3A_19 : i32
      "tpu.region"() ({
        %run_scoped3A = tpu.sem_alloc : memref<!tpu.dma_semaphore, #tpu.memory_space<semaphore_mem>>
        %dma_start3A = tpu.memref_slice %arg2[%mul3A_20] : memref<327680xi32, #tpu.memory_space<hbm>> -> memref<128xi32, #tpu.memory_space<hbm>>
        %dma_start3A_146 = tpu.memref_slice %arg2[%mul3A_20] : memref<327680xi32, #tpu.memory_space<hbm>> -> memref<128xi32, #tpu.memory_space<hbm>>
        tpu.enqueue_dma source(%dma_start3A_146 : memref<128xi32, #tpu.memory_space<hbm>>) target(%arg6 : memref<128xi32, #tpu.memory_space<vmem>>) target_semaphore(%run_scoped3A : memref<!tpu.dma_semaphore, #tpu.memory_space<semaphore_mem>>)
        %dma_wait3A = tpu.memref_slice %arg2[%mul3A_20] : memref<327680xi32, #tpu.memory_space<hbm>> -> memref<128xi32, #tpu.memory_space<hbm>>
        %dma_wait3A_147 = tpu.memref_slice %arg2[%mul3A_20] : memref<327680xi32, #tpu.memory_space<hbm>> -> memref<128xi32, #tpu.memory_space<hbm>>
        tpu.wait_dma2 semaphore(%run_scoped3A : memref<!tpu.dma_semaphore, #tpu.memory_space<semaphore_mem>>) src(%dma_wait3A_147 : memref<128xi32, #tpu.memory_space<hbm>>) dst(%arg6 : memref<128xi32, #tpu.memory_space<vmem>>)
        tpu.yield
      }) : () -> ()
      "tpu.region"() ({
        %run_scoped3A = tpu.sem_alloc : memref<!tpu.dma_semaphore, #tpu.memory_space<semaphore_mem>>
        %dma_start3A = tpu.memref_slice %arg3[%mul3A_20] : memref<327680xi32, #tpu.memory_space<hbm>> -> memref<128xi32, #tpu.memory_space<hbm>>
        %dma_start3A_146 = tpu.memref_slice %arg3[%mul3A_20] : memref<327680xi32, #tpu.memory_space<hbm>> -> memref<128xi32, #tpu.memory_space<hbm>>
        tpu.enqueue_dma source(%dma_start3A_146 : memref<128xi32, #tpu.memory_space<hbm>>) target(%arg7 : memref<128xi32, #tpu.memory_space<vmem>>) target_semaphore(%run_scoped3A : memref<!tpu.dma_semaphore, #tpu.memory_space<semaphore_mem>>)
        %dma_wait3A = tpu.memref_slice %arg3[%mul3A_20] : memref<327680xi32, #tpu.memory_space<hbm>> -> memref<128xi32, #tpu.memory_space<hbm>>
        %dma_wait3A_147 = tpu.memref_slice %arg3[%mul3A_20] : memref<327680xi32, #tpu.memory_space<hbm>> -> memref<128xi32, #tpu.memory_space<hbm>>
        tpu.wait_dma2 semaphore(%run_scoped3A : memref<!tpu.dma_semaphore, #tpu.memory_space<semaphore_mem>>) src(%dma_wait3A_147 : memref<128xi32, #tpu.memory_space<hbm>>) dst(%arg7 : memref<128xi32, #tpu.memory_space<vmem>>)
        tpu.yield
      }) : () -> ()
      %get3A = arith.constant 0 : index
      %get3A_21 = tpu.vector_load %arg6[%get3A] {strides = array<i32>} : memref<128xi32, #tpu.memory_space<vmem>>, vector<16xi32>,
      %get3A_22 = arith.constant 0 : index
      %get3A_23 = tpu.vector_load %arg7[%get3A_22] {strides = array<i32>} : memref<128xi32, #tpu.memory_space<vmem>>, vector<16xi32>,
      %shift_right_arithmetic3A = arith.constant 7 : i32
      %shift_right_arithmetic3A_24 = vector.broadcast %shift_right_arithmetic3A : i32 to vector<16xi32>
      %shift_right_arithmetic3A_25 = arith.shrsi %get3A_21, %shift_right_arithmetic3A_24 : vector<16xi32>
      %and3A = arith.constant 127 : i32
      %and3A_26 = vector.broadcast %and3A : i32 to vector<16xi32>
      %and3A_27 = arith.andi %get3A_21, %and3A_26 : vector<16xi32>
      tpu.vector_store_idx %arg8[%shift_right_arithmetic3A_25, %and3A_27], %broadcast_in_dim3A_5 {add = true} : memref<80x128xf32, #tpu.memory_space<vmem>>[vector<16xi32>, vector<16xi32>], vector<16xf32>,
      %shift_right_arithmetic3A_28 = arith.constant 7 : i32
      %shift_right_arithmetic3A_29 = vector.broadcast %shift_right_arithmetic3A_28 : i32 to vector<16xi32>
      %shift_right_arithmetic3A_30 = arith.shrsi %get3A_23, %shift_right_arithmetic3A_29 : vector<16xi32>
      %and3A_31 = arith.constant 127 : i32
      %and3A_32 = vector.broadcast %and3A_31 : i32 to vector<16xi32>
      %and3A_33 = arith.andi %get3A_23, %and3A_32 : vector<16xi32>
      tpu.vector_store_idx %arg9[%shift_right_arithmetic3A_30, %and3A_33], %broadcast_in_dim3A_5 {add = true} : memref<80x128xf32, #tpu.memory_space<vmem>>[vector<16xi32>, vector<16xi32>], vector<16xf32>,
      %get3A_34 = arith.constant 16 : index
      %get3A_35 = tpu.vector_load %arg6[%get3A_34] {strides = array<i32>} : memref<128xi32, #tpu.memory_space<vmem>>, vector<16xi32>,
      %get3A_36 = arith.constant 16 : index
      %get3A_37 = tpu.vector_load %arg7[%get3A_36] {strides = array<i32>} : memref<128xi32, #tpu.memory_space<vmem>>, vector<16xi32>,
      %shift_right_arithmetic3A_38 = arith.constant 7 : i32
      %shift_right_arithmetic3A_39 = vector.broadcast %shift_right_arithmetic3A_38 : i32 to vector<16xi32>
      %shift_right_arithmetic3A_40 = arith.shrsi %get3A_35, %shift_right_arithmetic3A_39 : vector<16xi32>
      %and3A_41 = arith.constant 127 : i32
      %and3A_42 = vector.broadcast %and3A_41 : i32 to vector<16xi32>
      %and3A_43 = arith.andi %get3A_35, %and3A_42 : vector<16xi32>
      tpu.vector_store_idx %arg8[%shift_right_arithmetic3A_40, %and3A_43], %broadcast_in_dim3A_5 {add = true} : memref<80x128xf32, #tpu.memory_space<vmem>>[vector<16xi32>, vector<16xi32>], vector<16xf32>,
      %shift_right_arithmetic3A_44 = arith.constant 7 : i32
      %shift_right_arithmetic3A_45 = vector.broadcast %shift_right_arithmetic3A_44 : i32 to vector<16xi32>
      %shift_right_arithmetic3A_46 = arith.shrsi %get3A_37, %shift_right_arithmetic3A_45 : vector<16xi32>
      %and3A_47 = arith.constant 127 : i32
      %and3A_48 = vector.broadcast %and3A_47 : i32 to vector<16xi32>
      %and3A_49 = arith.andi %get3A_37, %and3A_48 : vector<16xi32>
      tpu.vector_store_idx %arg9[%shift_right_arithmetic3A_46, %and3A_49], %broadcast_in_dim3A_5 {add = true} : memref<80x128xf32, #tpu.memory_space<vmem>>[vector<16xi32>, vector<16xi32>], vector<16xf32>,
      %get3A_50 = arith.constant 32 : index
      %get3A_51 = tpu.vector_load %arg6[%get3A_50] {strides = array<i32>} : memref<128xi32, #tpu.memory_space<vmem>>, vector<16xi32>,
      %get3A_52 = arith.constant 32 : index
      %get3A_53 = tpu.vector_load %arg7[%get3A_52] {strides = array<i32>} : memref<128xi32, #tpu.memory_space<vmem>>, vector<16xi32>,
      %shift_right_arithmetic3A_54 = arith.constant 7 : i32
      %shift_right_arithmetic3A_55 = vector.broadcast %shift_right_arithmetic3A_54 : i32 to vector<16xi32>
      %shift_right_arithmetic3A_56 = arith.shrsi %get3A_51, %shift_right_arithmetic3A_55 : vector<16xi32>
      %and3A_57 = arith.constant 127 : i32
      %and3A_58 = vector.broadcast %and3A_57 : i32 to vector<16xi32>
      %and3A_59 = arith.andi %get3A_51, %and3A_58 : vector<16xi32>
      tpu.vector_store_idx %arg8[%shift_right_arithmetic3A_56, %and3A_59], %broadcast_in_dim3A_5 {add = true} : memref<80x128xf32, #tpu.memory_space<vmem>>[vector<16xi32>, vector<16xi32>], vector<16xf32>,
      %shift_right_arithmetic3A_60 = arith.constant 7 : i32
      %shift_right_arithmetic3A_61 = vector.broadcast %shift_right_arithmetic3A_60 : i32 to vector<16xi32>
      %shift_right_arithmetic3A_62 = arith.shrsi %get3A_53, %shift_right_arithmetic3A_61 : vector<16xi32>
      %and3A_63 = arith.constant 127 : i32
      %and3A_64 = vector.broadcast %and3A_63 : i32 to vector<16xi32>
      %and3A_65 = arith.andi %get3A_53, %and3A_64 : vector<16xi32>
      tpu.vector_store_idx %arg9[%shift_right_arithmetic3A_62, %and3A_65], %broadcast_in_dim3A_5 {add = true} : memref<80x128xf32, #tpu.memory_space<vmem>>[vector<16xi32>, vector<16xi32>], vector<16xf32>,
      %get3A_66 = arith.constant 48 : index
      %get3A_67 = tpu.vector_load %arg6[%get3A_66] {strides = array<i32>} : memref<128xi32, #tpu.memory_space<vmem>>, vector<16xi32>,
      %get3A_68 = arith.constant 48 : index
      %get3A_69 = tpu.vector_load %arg7[%get3A_68] {strides = array<i32>} : memref<128xi32, #tpu.memory_space<vmem>>, vector<16xi32>,
      %shift_right_arithmetic3A_70 = arith.constant 7 : i32
      %shift_right_arithmetic3A_71 = vector.broadcast %shift_right_arithmetic3A_70 : i32 to vector<16xi32>
      %shift_right_arithmetic3A_72 = arith.shrsi %get3A_67, %shift_right_arithmetic3A_71 : vector<16xi32>
      %and3A_73 = arith.constant 127 : i32
      %and3A_74 = vector.broadcast %and3A_73 : i32 to vector<16xi32>
      %and3A_75 = arith.andi %get3A_67, %and3A_74 : vector<16xi32>
      tpu.vector_store_idx %arg8[%shift_right_arithmetic3A_72, %and3A_75], %broadcast_in_dim3A_5 {add = true} : memref<80x128xf32, #tpu.memory_space<vmem>>[vector<16xi32>, vector<16xi32>], vector<16xf32>,
      %shift_right_arithmetic3A_76 = arith.constant 7 : i32
      %shift_right_arithmetic3A_77 = vector.broadcast %shift_right_arithmetic3A_76 : i32 to vector<16xi32>
      %shift_right_arithmetic3A_78 = arith.shrsi %get3A_69, %shift_right_arithmetic3A_77 : vector<16xi32>
      %and3A_79 = arith.constant 127 : i32
      %and3A_80 = vector.broadcast %and3A_79 : i32 to vector<16xi32>
      %and3A_81 = arith.andi %get3A_69, %and3A_80 : vector<16xi32>
      tpu.vector_store_idx %arg9[%shift_right_arithmetic3A_78, %and3A_81], %broadcast_in_dim3A_5 {add = true} : memref<80x128xf32, #tpu.memory_space<vmem>>[vector<16xi32>, vector<16xi32>], vector<16xf32>,
      %get3A_82 = arith.constant 64 : index
      %get3A_83 = tpu.vector_load %arg6[%get3A_82] {strides = array<i32>} : memref<128xi32, #tpu.memory_space<vmem>>, vector<16xi32>,
      %get3A_84 = arith.constant 64 : index
      %get3A_85 = tpu.vector_load %arg7[%get3A_84] {strides = array<i32>} : memref<128xi32, #tpu.memory_space<vmem>>, vector<16xi32>,
      %shift_right_arithmetic3A_86 = arith.constant 7 : i32
      %shift_right_arithmetic3A_87 = vector.broadcast %shift_right_arithmetic3A_86 : i32 to vector<16xi32>
      %shift_right_arithmetic3A_88 = arith.shrsi %get3A_83, %shift_right_arithmetic3A_87 : vector<16xi32>
      %and3A_89 = arith.constant 127 : i32
      %and3A_90 = vector.broadcast %and3A_89 : i32 to vector<16xi32>
      %and3A_91 = arith.andi %get3A_83, %and3A_90 : vector<16xi32>
      tpu.vector_store_idx %arg8[%shift_right_arithmetic3A_88, %and3A_91], %broadcast_in_dim3A_5 {add = true} : memref<80x128xf32, #tpu.memory_space<vmem>>[vector<16xi32>, vector<16xi32>], vector<16xf32>,
      %shift_right_arithmetic3A_92 = arith.constant 7 : i32
      %shift_right_arithmetic3A_93 = vector.broadcast %shift_right_arithmetic3A_92 : i32 to vector<16xi32>
      %shift_right_arithmetic3A_94 = arith.shrsi %get3A_85, %shift_right_arithmetic3A_93 : vector<16xi32>
      %and3A_95 = arith.constant 127 : i32
      %and3A_96 = vector.broadcast %and3A_95 : i32 to vector<16xi32>
      %and3A_97 = arith.andi %get3A_85, %and3A_96 : vector<16xi32>
      tpu.vector_store_idx %arg9[%shift_right_arithmetic3A_94, %and3A_97], %broadcast_in_dim3A_5 {add = true} : memref<80x128xf32, #tpu.memory_space<vmem>>[vector<16xi32>, vector<16xi32>], vector<16xf32>,
      %get3A_98 = arith.constant 80 : index
      %get3A_99 = tpu.vector_load %arg6[%get3A_98] {strides = array<i32>} : memref<128xi32, #tpu.memory_space<vmem>>, vector<16xi32>,
      %get3A_100 = arith.constant 80 : index
      %get3A_101 = tpu.vector_load %arg7[%get3A_100] {strides = array<i32>} : memref<128xi32, #tpu.memory_space<vmem>>, vector<16xi32>,
      %shift_right_arithmetic3A_102 = arith.constant 7 : i32
      %shift_right_arithmetic3A_103 = vector.broadcast %shift_right_arithmetic3A_102 : i32 to vector<16xi32>
      %shift_right_arithmetic3A_104 = arith.shrsi %get3A_99, %shift_right_arithmetic3A_103 : vector<16xi32>
      %and3A_105 = arith.constant 127 : i32
      %and3A_106 = vector.broadcast %and3A_105 : i32 to vector<16xi32>
      %and3A_107 = arith.andi %get3A_99, %and3A_106 : vector<16xi32>
      tpu.vector_store_idx %arg8[%shift_right_arithmetic3A_104, %and3A_107], %broadcast_in_dim3A_5 {add = true} : memref<80x128xf32, #tpu.memory_space<vmem>>[vector<16xi32>, vector<16xi32>], vector<16xf32>,
      %shift_right_arithmetic3A_108 = arith.constant 7 : i32
      %shift_right_arithmetic3A_109 = vector.broadcast %shift_right_arithmetic3A_108 : i32 to vector<16xi32>
      %shift_right_arithmetic3A_110 = arith.shrsi %get3A_101, %shift_right_arithmetic3A_109 : vector<16xi32>
      %and3A_111 = arith.constant 127 : i32
      %and3A_112 = vector.broadcast %and3A_111 : i32 to vector<16xi32>
      %and3A_113 = arith.andi %get3A_101, %and3A_112 : vector<16xi32>
      tpu.vector_store_idx %arg9[%shift_right_arithmetic3A_110, %and3A_113], %broadcast_in_dim3A_5 {add = true} : memref<80x128xf32, #tpu.memory_space<vmem>>[vector<16xi32>, vector<16xi32>], vector<16xf32>,
      %get3A_114 = arith.constant 96 : index
      %get3A_115 = tpu.vector_load %arg6[%get3A_114] {strides = array<i32>} : memref<128xi32, #tpu.memory_space<vmem>>, vector<16xi32>,
      %get3A_116 = arith.constant 96 : index
      %get3A_117 = tpu.vector_load %arg7[%get3A_116] {strides = array<i32>} : memref<128xi32, #tpu.memory_space<vmem>>, vector<16xi32>,
      %shift_right_arithmetic3A_118 = arith.constant 7 : i32
      %shift_right_arithmetic3A_119 = vector.broadcast %shift_right_arithmetic3A_118 : i32 to vector<16xi32>
      %shift_right_arithmetic3A_120 = arith.shrsi %get3A_115, %shift_right_arithmetic3A_119 : vector<16xi32>
      %and3A_121 = arith.constant 127 : i32
      %and3A_122 = vector.broadcast %and3A_121 : i32 to vector<16xi32>
      %and3A_123 = arith.andi %get3A_115, %and3A_122 : vector<16xi32>
      tpu.vector_store_idx %arg8[%shift_right_arithmetic3A_120, %and3A_123], %broadcast_in_dim3A_5 {add = true} : memref<80x128xf32, #tpu.memory_space<vmem>>[vector<16xi32>, vector<16xi32>], vector<16xf32>,
      %shift_right_arithmetic3A_124 = arith.constant 7 : i32
      %shift_right_arithmetic3A_125 = vector.broadcast %shift_right_arithmetic3A_124 : i32 to vector<16xi32>
      %shift_right_arithmetic3A_126 = arith.shrsi %get3A_117, %shift_right_arithmetic3A_125 : vector<16xi32>
      %and3A_127 = arith.constant 127 : i32
      %and3A_128 = vector.broadcast %and3A_127 : i32 to vector<16xi32>
      %and3A_129 = arith.andi %get3A_117, %and3A_128 : vector<16xi32>
      tpu.vector_store_idx %arg9[%shift_right_arithmetic3A_126, %and3A_129], %broadcast_in_dim3A_5 {add = true} : memref<80x128xf32, #tpu.memory_space<vmem>>[vector<16xi32>, vector<16xi32>], vector<16xf32>,
      %get3A_130 = arith.constant 112 : index
      %get3A_131 = tpu.vector_load %arg6[%get3A_130] {strides = array<i32>} : memref<128xi32, #tpu.memory_space<vmem>>, vector<16xi32>,
      %get3A_132 = arith.constant 112 : index
      %get3A_133 = tpu.vector_load %arg7[%get3A_132] {strides = array<i32>} : memref<128xi32, #tpu.memory_space<vmem>>, vector<16xi32>,
      %shift_right_arithmetic3A_134 = arith.constant 7 : i32
      %shift_right_arithmetic3A_135 = vector.broadcast %shift_right_arithmetic3A_134 : i32 to vector<16xi32>
      %shift_right_arithmetic3A_136 = arith.shrsi %get3A_131, %shift_right_arithmetic3A_135 : vector<16xi32>
      %and3A_137 = arith.constant 127 : i32
      %and3A_138 = vector.broadcast %and3A_137 : i32 to vector<16xi32>
      %and3A_139 = arith.andi %get3A_131, %and3A_138 : vector<16xi32>
      tpu.vector_store_idx %arg8[%shift_right_arithmetic3A_136, %and3A_139], %broadcast_in_dim3A_5 {add = true} : memref<80x128xf32, #tpu.memory_space<vmem>>[vector<16xi32>, vector<16xi32>], vector<16xf32>,
      %shift_right_arithmetic3A_140 = arith.constant 7 : i32
      %shift_right_arithmetic3A_141 = vector.broadcast %shift_right_arithmetic3A_140 : i32 to vector<16xi32>
      %shift_right_arithmetic3A_142 = arith.shrsi %get3A_133, %shift_right_arithmetic3A_141 : vector<16xi32>
      %and3A_143 = arith.constant 127 : i32
      %and3A_144 = vector.broadcast %and3A_143 : i32 to vector<16xi32>
      %and3A_145 = arith.andi %get3A_133, %and3A_144 : vector<16xi32>
      tpu.vector_store_idx %arg9[%shift_right_arithmetic3A_142, %and3A_145], %broadcast_in_dim3A_5 {add = true} : memref<80x128xf32, #tpu.memory_space<vmem>>[vector<16xi32>, vector<16xi32>], vector<16xf32>,
    }
    %scan3A_10 = arith.constant 80 : i32
    "tpu.region"() ({
      %run_scoped3A = tpu.sem_alloc : memref<!tpu.dma_semaphore, #tpu.memory_space<semaphore_mem>>
      %dma_start3A = arith.constant 0 : i32
      %dma_start3A_11 = arith.constant 0 : i32
      %dma_start3A_12 = tpu.memref_slice %arg4[%add3A, %dma_start3A, %dma_start3A_11] : memref<32x80x128xf32, #tpu.memory_space<hbm>> -> memref<1x80x128xf32, #tpu.memory_space<hbm>>
      %dma_start3A_13 = tpu.memref_squeeze %dma_start3A_12 : memref<1x80x128xf32, #tpu.memory_space<hbm>> -> memref<80x128xf32, #tpu.memory_space<hbm>>
      %dma_start3A_14 = arith.constant 0 : i32
      %dma_start3A_15 = arith.constant 0 : i32
      %dma_start3A_16 = tpu.memref_slice %arg4[%add3A, %dma_start3A_14, %dma_start3A_15] : memref<32x80x128xf32, #tpu.memory_space<hbm>> -> memref<1x80x128xf32, #tpu.memory_space<hbm>>
      %dma_start3A_17 = tpu.memref_squeeze %dma_start3A_16 : memref<1x80x128xf32, #tpu.memory_space<hbm>> -> memref<80x128xf32, #tpu.memory_space<hbm>>
      tpu.enqueue_dma source(%arg8 : memref<80x128xf32, #tpu.memory_space<vmem>>) target(%dma_start3A_17 : memref<80x128xf32, #tpu.memory_space<hbm>>) target_semaphore(%run_scoped3A : memref<!tpu.dma_semaphore, #tpu.memory_space<semaphore_mem>>)
      %dma_wait3A = arith.constant 0 : i32
      %dma_wait3A_18 = arith.constant 0 : i32
      %dma_wait3A_19 = tpu.memref_slice %arg4[%add3A, %dma_wait3A, %dma_wait3A_18] : memref<32x80x128xf32, #tpu.memory_space<hbm>> -> memref<1x80x128xf32, #tpu.memory_space<hbm>>
      %dma_wait3A_20 = tpu.memref_squeeze %dma_wait3A_19 : memref<1x80x128xf32, #tpu.memory_space<hbm>> -> memref<80x128xf32, #tpu.memory_space<hbm>>
      %dma_wait3A_21 = arith.constant 0 : i32
      %dma_wait3A_22 = arith.constant 0 : i32
      %dma_wait3A_23 = tpu.memref_slice %arg4[%add3A, %dma_wait3A_21, %dma_wait3A_22] : memref<32x80x128xf32, #tpu.memory_space<hbm>> -> memref<1x80x128xf32, #tpu.memory_space<hbm>>
      %dma_wait3A_24 = tpu.memref_squeeze %dma_wait3A_23 : memref<1x80x128xf32, #tpu.memory_space<hbm>> -> memref<80x128xf32, #tpu.memory_space<hbm>>
      tpu.wait_dma2 semaphore(%run_scoped3A : memref<!tpu.dma_semaphore, #tpu.memory_space<semaphore_mem>>) src(%arg8 : memref<80x128xf32, #tpu.memory_space<vmem>>) dst(%dma_wait3A_24 : memref<80x128xf32, #tpu.memory_space<hbm>>)
      tpu.yield
    }) : () -> ()
    "tpu.region"() ({
      %run_scoped3A = tpu.sem_alloc : memref<!tpu.dma_semaphore, #tpu.memory_space<semaphore_mem>>
      %dma_start3A = arith.constant 0 : i32
      %dma_start3A_11 = arith.constant 0 : i32
      %dma_start3A_12 = tpu.memref_slice %arg5[%add3A, %dma_start3A, %dma_start3A_11] : memref<32x80x128xf32, #tpu.memory_space<hbm>> -> memref<1x80x128xf32, #tpu.memory_space<hbm>>
      %dma_start3A_13 = tpu.memref_squeeze %dma_start3A_12 : memref<1x80x128xf32, #tpu.memory_space<hbm>> -> memref<80x128xf32, #tpu.memory_space<hbm>>
      %dma_start3A_14 = arith.constant 0 : i32
      %dma_start3A_15 = arith.constant 0 : i32
      %dma_start3A_16 = tpu.memref_slice %arg5[%add3A, %dma_start3A_14, %dma_start3A_15] : memref<32x80x128xf32, #tpu.memory_space<hbm>> -> memref<1x80x128xf32, #tpu.memory_space<hbm>>
      %dma_start3A_17 = tpu.memref_squeeze %dma_start3A_16 : memref<1x80x128xf32, #tpu.memory_space<hbm>> -> memref<80x128xf32, #tpu.memory_space<hbm>>
      tpu.enqueue_dma source(%arg9 : memref<80x128xf32, #tpu.memory_space<vmem>>) target(%dma_start3A_17 : memref<80x128xf32, #tpu.memory_space<hbm>>) target_semaphore(%run_scoped3A : memref<!tpu.dma_semaphore, #tpu.memory_space<semaphore_mem>>)
      %dma_wait3A = arith.constant 0 : i32
      %dma_wait3A_18 = arith.constant 0 : i32
      %dma_wait3A_19 = tpu.memref_slice %arg5[%add3A, %dma_wait3A, %dma_wait3A_18] : memref<32x80x128xf32, #tpu.memory_space<hbm>> -> memref<1x80x128xf32, #tpu.memory_space<hbm>>
      %dma_wait3A_20 = tpu.memref_squeeze %dma_wait3A_19 : memref<1x80x128xf32, #tpu.memory_space<hbm>> -> memref<80x128xf32, #tpu.memory_space<hbm>>
      %dma_wait3A_21 = arith.constant 0 : i32
      %dma_wait3A_22 = arith.constant 0 : i32
      %dma_wait3A_23 = tpu.memref_slice %arg5[%add3A, %dma_wait3A_21, %dma_wait3A_22] : memref<32x80x128xf32, #tpu.memory_space<hbm>> -> memref<1x80x128xf32, #tpu.memory_space<hbm>>
      %dma_wait3A_24 = tpu.memref_squeeze %dma_wait3A_23 : memref<1x80x128xf32, #tpu.memory_space<hbm>> -> memref<80x128xf32, #tpu.memory_space<hbm>>
      tpu.wait_dma2 semaphore(%run_scoped3A : memref<!tpu.dma_semaphore, #tpu.memory_space<semaphore_mem>>) src(%arg9 : memref<80x128xf32, #tpu.memory_space<vmem>>) dst(%dma_wait3A_24 : memref<80x128xf32, #tpu.memory_space<hbm>>)
      tpu.yield
    }) : () -> ()
    return
  }
}

</mosaic_0001>

<sc_bundles>
// kernel: _sc_degrees.3.cloned.1.call-start
scs
__scs_entry_jumppad:
0x0: {  	(pc) =	sbr.rel $0x88, $3  }
0x1: {  	(tag) =	ssettag $0x0;
	lr =	simm.s32 $0x1  }
0x2: {  	[smem:$0x3F9F] =	sst lr;
	_ =	strace $0xD0000000  }
0x3: {  	_ = 	snop  }
0x4: {  	_ = 	snop  }
0x5: {  	_ = 	snop  }
0x6: {  	_ = 	snop  }
0x7: {  	_ = 	snop  }
__scs_overlays_trampoline_lowered:
0x8: {  	[smem:$0x3FAE] =	sst s0  }
0x9: {  	[smem:$0x3FAF] =	sst s1  }
0xa: {  	[smem:$0x3FB0] =	sst s2  }
0xb: {  	[smem:$0x3FB1] =	sst s3  }
0xc: {  	[smem:$0x3FB2] =	sst s4  }
0xd: {  	[smem:$0x3FB3] =	sst s5  }
0xe: {  	[smem:$0x3FB4] =	sst s6  }
0xf: {  	[smem:$0x3FB5] =	sst s7  }
0x10: {  	[smem:$0x3FB6] =	sst s8  }
0x11: {  	[smem:$0x3FB7] =	sst s9;
	s0 =	simm.s32 @!p0 $0x0  }
0x12: {  	s1 =	sld [smem:$0x3F9D];
	s0 =	simm.s32 @p0 $0x1  }
0x13: {  	[smem:$0x3FB8] =	sst s0;
	s0 =	simm.s32 @!p1 $0x0  }
0x14: {  	s2 =	sld [smem:$0x3F9C];
	s0 =	simm.s32 @p1 $0x1  }
0x15: {  	[smem:$0x3FB9] =	sst s0;
	s0 =	simm.s32 @!p2 $0x0  }
0x16: {  	s3 =	sld [smem:$0x3FDB];
	s0 =	simm.s32 @p2 $0x1  }
0x17: {  	s4 =	simm.s32 $0x1BF5;
	[smem:$0x3FBB] =	sst s0  }
0x18: {  	s0 =	sld [smem:$0x3F9E];
	_ =	swait.ge [sflag:s4], $0x0  }
0x19: {  	s7 =	sld [smem:$0x3F9F]  }
0x1a: {  	s8 =	sadd.s32 $0xFFFFE003, lr  }
0x1b: {  	s9 =	sadd.s32 $0xFFFFFEF7, lr;
	s5 =	simm.s32 $0xFFFFFFFF;
	p2 =	slt.u32 s8, $0xFFFFF086  }
0x1c: {  	p1 =	slt.u32 s9, $0xF7A;
	s5 =	simm.s32 @!p2 $0x0  }
0x1d: {  	s5 =	simm.s32 @p1 $0x1;
	p0 =	seq.s32 s7, s2  }
0x1e: {  	s7 =	smul.u32 @!p0 $0xF7A, s2;
	p2 =	seq.s32 @!p0 s5, $0x0  }
0x1f: {  	s9 =	smul.u32 $0xF7A, s1;
	s8 =	simm.s32 @!p0 $0x1BF5;
	p2 =	por !p2, p0  }
0x20: {  	[sflag:s8] =	ssyncset.s32 @!p0 $0xFFFFF086;
	s6 =	sadd.s32 @!p0 s3, s7;
	s7 =	simm.s32 @!p0 $0x108  }
0x21: {  	s3 =	sadd.s32 s3, s9;
	s6 =	sadd.s32 @!p0 $0x88, s6;
	s7 =	simm.s32 @p2 $0x1082  }
0x22: {  	[simem:s7], [sflag:s8] =	dma.local @!p0 [hbm:s6], $0xF7A  }
0x23: {  	s9 =	sor.u32 $0xD0000000, s2;
	s6 =	simm.s32 $0x108;
	_ =	swait.ge @!p0 [sflag:s8], $0x0  }
0x24: {  	s3 =	sadd.s32 $0x88, s3;
	s6 =	simm.s32 @!p1 $0x1082;
	[sflag:s4] =	ssyncset.s32 $0xFFFFF086  }
0x25: {  	[simem:s6], [sflag:s4] =	dma.local [hbm:s3], $0xF7A  }
0x26: {  	[smem:$0x3F9F] =	sst s1;
	(tag) =	ssettag s2;
	_ =	strace s9  }
0x27: {  	s1 =	sld [smem:$0x3FAF]  }
0x28: {  	s2 =	sld [smem:$0x3FB0]  }
0x29: {  	s4 =	sld [smem:$0x3FB2]  }
0x2a: {  	p0 =	seq.s32 s5, $0x0;
	s5 =	sld [smem:$0x3FB3]  }
0x2b: {  	s6 =	sld [smem:$0x3FB4]  }
0x2c: {  	s7 =	sld [smem:$0x3FB5]  }
0x2d: {  	s3 =	simm.s32 $0x108;
	s8 =	sld [smem:$0x3FB6]  }
0x2e: {  	s3 =	simm.s32 @!p0 $0x1082;
	s9 =	sld [smem:$0x3FB7]  }
0x2f: {  	lr =	sadd.s32 s0, s3;
	s0 =	sld [smem:$0x3FAE]  }
0x30: {  	s3 =	sld [smem:$0x3FB1]  }
0x31: {  	[smem:$0x3FBA] =	sst s10  }
0x32: {  	s10 =	sld [smem:$0x3FB8];
	_ =	sdelay $0x3  }
0x33: {  	p0 =	seq.s32 s10, $0x1;
	s10 =	sld [smem:$0x3FBA];
	_ =	sdelay $0x3  }
0x34: {  	[smem:$0x3FBA] =	sst s10  }
0x35: {  	s10 =	sld [smem:$0x3FB9];
	_ =	sdelay $0x3  }
0x36: {  	p1 =	seq.s32 s10, $0x1;
	s10 =	sld [smem:$0x3FBA];
	_ =	sdelay $0x3  }
0x37: {  	[smem:$0x3FBA] =	sst s10  }
0x38: {  	s10 =	sld [smem:$0x3FBB]  }
0x39: {  	_ = 	snop;
	(pc) =	sbr.ind lr, $3  }
0x3a: {  	_ = 	snop  }
0x3b: {  	_ = 	snop  }
0x3c: {  	p2 =	seq.s32 s10, $0x1;
	s10 =	sld [smem:$0x3FBA]  }
0x3d: {  	_ =	shalt  }
0x3e: {  	_ =	shalt  }
0x3f: {  	_ =	shalt  }
0x40: {  	_ =	shalt  }
0x41: {  	_ =	shalt  }
0x42: {  	_ =	shalt  }
0x43: {  	_ =	shalt  }
0x44: {  	_ =	shalt  }
0x45: {  	_ =	shalt  }
0x46: {  	_ =	shalt  }
0x47: {  	_ =	shalt  }
0x48: {  	_ =	shalt  }
0x49: {  	_ =	shalt  }
0x4a: {  	_ =	shalt  }
0x4b: {  	_ =	shalt  }
0x4c: {  	_ =	shalt  }
0x4d: {  	_ =	shalt  }
0x4e: {  	_ =	shalt  }
0x4f: {  	_ =	shalt  }
0x50: {  	_ =	shalt  }
0x51: {  	_ =	shalt  }
0x52: {  	_ =	shalt  }
0x53: {  	_ =	shalt  }
0x54: {  	_ =	shalt  }
0x55: {  	_ =	shalt  }
0x56: {  	_ =	shalt  }
0x57: {  	_ =	shalt  }
0x58: {  	_ =	shalt  }
0x59: {  	_ =	shalt  }
0x5a: {  	_ =	shalt  }
0x5b: {  	_ =	shalt  }
0x5c: {  	_ =	shalt  }
0x5d: {  	_ =	shalt  }
0x5e: {  	_ =	shalt  }
0x5f: {  	_ =	shalt  }
0x60: {  	_ =	shalt  }
0x61: {  	_ =	shalt  }
0x62: {  	_ =	shalt  }
0x63: {  	_ =	shalt  }
0x64: {  	_ =	shalt  }
0x65: {  	_ =	shalt  }
0x66: {  	_ =	shalt  }
0x67: {  	_ =	shalt  }
0x68: {  	_ =	shalt  }
0x69: {  	_ =	shalt  }
0x6a: {  	_ =	shalt  }
0x6b: {  	_ =	shalt  }
0x6c: {  	_ =	shalt  }
0x6d: {  	_ =	shalt  }
0x6e: {  	_ =	shalt  }
0x6f: {  	_ =	shalt  }
0x70: {  	_ =	shalt  }
0x71: {  	_ =	shalt  }
0x72: {  	_ =	shalt  }
0x73: {  	_ =	shalt  }
0x74: {  	_ =	shalt  }
0x75: {  	_ =	shalt  }
0x76: {  	_ =	shalt  }
0x77: {  	_ =	shalt  }
0x78: {  	_ =	shalt  }
0x79: {  	_ =	shalt  }
0x7a: {  	_ =	shalt  }
0x7b: {  	_ =	shalt  }
0x7c: {  	_ =	shalt  }
0x7d: {  	_ =	shalt  }
0x7e: {  	_ =	shalt  }
0x7f: {  	_ =	shalt  }
0x80: {  	_ =	shalt  }
0x81: {  	_ =	shalt  }
0x82: {  	_ =	shalt  }
0x83: {  	_ =	shalt  }
0x84: {  	_ =	shalt  }
0x85: {  	_ =	shalt  }
0x86: {  	_ =	shalt  }
0x87: {  	_ =	shalt  }
.Lfunc_end0:
.L_simem_size_0:
called_computation_lowered:
.L_overlay_start_0:
0x88: {  	s2 =	sld [smem:$0x3FD9]  }
0x89: {  	s3 =	sld [smem:$0x3FFE];
	_ =	sdelay $0x1  }
0x8a: {  	s1 =	srdreg.scid  }
0x8b: {  	s0 =	sand.u32 $0x1, s1  }
0x8c: {  	s15 =	sshll.u32 s0, $0xA;
	s2 =	sadd.s32 s3, s2  }
0x8d: {  	s2 =	sadd.s32 s2, s15  }
0x8e: {  	[smem:$0x3FC6] =	sst s2  }
0x8f: {  	_ = 	snop  }
0x90: {  	s2 =	sld [smem:$0x3FD0];
	_ =	sdelay $0x1  }
0x91: {  	s16 =	sld [smem:$0x3FC9]  }
0x92: {  	s5 =	simm.s32 $0xA;
	s6 =	simm.s32 $0x10;
	s4 =	sld [smem:$0x3FC8]  }
0x93: {  	[smem:s6], [sflag:s5] =	dma.local [hbm:s2], $0x1  }
0x94: {  	_ =	swait.eq [sflag:s5], $0x1  }
0x95: {  	[sflag:s5] =	ssyncset.done $0x0  }
0x96: {  	s17 =	sld [smem:$0x10];
	[sflag:s5] =	ssyncadd.s32 $0xFFFFFFFF  }
0x97: {  	s18 =	sld [smem:$0x11];
	(tm) =	ssettm $0x1  }
0x98: {  	s19 =	sld [smem:$0x3FFB];
	_ =	sdelay $0x3  }
0x99: {  	_ =	strace s19  }
0x9a: {  	s6 =	sld [smem:$0x3FFC];
	_ =	sdelay $0x3  }
0x9b: {  	_ =	strace s6  }
0x9c: {  	s6 =	sld [smem:$0x3FFD];
	_ =	sdelay $0x3  }
0x9d: {  	_ =	strace s6  }
0x9e: {  	_ =	strace $0x8FFFFFFF  }
0x9f: {  	s20 =	sld [smem:$0x3FDB];
	_ =	sdelay $0x1  }
0xa0: {  	s7 =	simm.s32 $_scs_section_size  }
0xa1: {  	s8 =	simm.s32 $_size__tile_overlayer_lowered;
	s9 =	simm.s32 $_tile_overlayer_lowered  }
0xa2: {  	s23 =	simm.s32 $0x1BFF;
	s22 =	sshll.u32 s9, $0x1;
	s6 =	sadd.s32 s7, s20  }
0xa3: {  	s10 =	simm.s32 $0x0;
	s21 =	sshll.u32 s8, $0x1;
	s8 =	sadd.s32 s22, s6  }
0xa4: {  	[timem:s10], [sflag:s23] =	dma.local [hbm:s8], s21  }
0xa5: {  	_ =	swait.ge [sflag:s23], s21  }
0xa6: {  	s7 =	ssub.s32 $0x0, s21;
	[sflag:s23] =	ssyncset.done $0x0  }
0xa7: {  	[sflag:s23] =	ssyncadd.s32 s7;
	_ =	sdelay $0x1  }
0xa8: {  	s24 =	simm.s32 $0x1B8B  }
0xa9: {  	_ =	swait.ge [sflag:s24], $0x1  }
0xaa: {  	[sflag:s24] =	ssyncset.done $0x0  }
0xab: {  	s25 =	simm.s32 $0x1B8E;
	[sflag:s24] =	ssyncadd.s32 $0xFFFFFFFF  }
0xac: {  	s26 =	simm.s32 $execute0_lowered;
	[smem:$0x3FD2] =	sst s25  }
0xad: {  	s7 =	sshll.u32 s26, $0x1;
	_ =	strace $0x80000046;
	[dreg:$0x1] =	wrdreg $0xFFFFFFFF  }
0xae: {  	s28 =	simm.s32 $_size_execute0_lowered;
	s6 =	sadd.s32 s6, s7;
	[dreg:$0x0] =	wrdreg $0x0  }
0xaf: {  	s7 =	sshll.u32 s28, $0x1;
	[dreg:$0x2] =	wrdreg s6  }
0xb0: {  	[dreg:$0x3] =	wrdreg s7  }
0xb1: {  	[dreg:$0x4] =	wrdreg $0xC0  }
0xb2: {  	_ =	task [dreg:s10], $0x5FFFF  }
0xb3: {  	[dreg:$0x1] =	wrdreg $0xFFFFFFFF  }
0xb4: {  	[dreg:$0x0] =	wrdreg $0x60  }
0xb5: {  	[dreg:$0x2] =	wrdreg s16  }
0xb6: {  	[dreg:$0x3] =	wrdreg s4  }
0xb7: {  	[dreg:$0x4] =	wrdreg s17  }
0xb8: {  	[dreg:$0x5] =	wrdreg s18  }
0xb9: {  	[dreg:$0x6] =	wrdreg $0x9  }
0xba: {  	_ =	task.clear_ibuf [dreg:s10], $0x7FFFF;
	_ =	strace $0x90000046  }
0xbb: {  	s29 =	simm.s32 $0x9;
	_ =	strace $0x80000048  }
0xbc: {  	_ =	swait.ge [sflag:s29], $0x1  }
0xbd: {  	[sflag:s29] =	ssyncadd.s32 $0xFFFFFFFF  }
0xbe: {  	_ =	strace $0x90000048  }
0xbf: {  	_ =	sfence  }
0xc0: {  	s30 =	sld [smem:$0x0];
	_ =	sdelay $0x2  }
0xc1: {  	s31 =	sshll.u32 s1, $0xD;
	s1 =	sshrl.u32 s1, $0x2  }
0xc2: {  	s3 =	sand.u32 $0x4000, s31;
	s1 =	sadd.s32 s1, s30  }
0xc3: {  	s0 =	sor.u32 s3, s0;
	s1 =	sshll.u32 s1, $0x11  }
0xc4: {  	s0 =	sor.u32 s1, s0  }
0xc5: {  	s0 =	sadd.s32 $0x8F2B, s0  }
0xc6: {  	[sflag:s0] =	ssyncadd.remote.s32 $0x1  }
0xc7: {  	_ =	sfence.sel $0xFFFF  }
0xc8: {  	[dreg:$0x0] =	wrdreg $0xFFFFFFFF;
	(pc) =	sbr.abs _section_cstart, $3  }
0xc9: {  	[dreg:$0x1] =	wrdreg $0xFFFFFFFF  }
0xca: {  	_ =	task.clear_ibuf [dreg:s10], $0x2FFFF;
	_ =	strace $0x9FFFFFFF  }
0xcb: {  	(tm) =	ssettm $0x7FFFFFFF  }
tec
execute0_lowered:
.L_overlay_start_1:
0x0: {  	(tag) =	ssettag $0x1  }
0x1: {  	s7 =	rddreg [dreg:$0x0]  }
0x2: {  	s5 =	rddreg [dreg:$0x1]  }
0x3: {  	s0 =	srdreg.scid;
	s3 =	rddreg [dreg:$0x2]  }
0x4: {  	s6 =	rddreg [dreg:$0x3];
	s1 =	stileid.u32;
	s12 =	simm.s32 $0x0  }
0x5: {  	s4 =	sand.u32 $0x1, s0;
	s0 =	rddreg [dreg:$0x4];
	s30 =	smul.u32 $0x500, s1  }
0x6: {  	s2 =	sshll.u32 s4, $0x4;
	s9 =	ssub.s32 $0x2, s4;
	s11 =	smul.u32 $0x5000, s4  }
0x7: {  	s8 =	sor.u32 s1, s2;
	s2 =	simm.s32 $0x0;
	s10 =	sshrl.u32 s9, $0x1  }
0x8: {  	s8 =	smul.u32 $0x500, s8;
	[smem:$0x7FF] =	sst s2;
	s9 =	ssub.s32 s9, s10  }
0x9: {  	s31 =	sadd.s32 s11, s5;
	s7 =	sadd.s32 s11, s7;
	s10 =	simm.s32 $0x100  }
0xa: {  	s11 =	simm.s32 $0x2900;
	_ =	strace $0x80000047;
	s5 =	smax.u32 s9, $0x1  }
0xb: {  	s7 =	sadd.s32 s30, s7;
	s9 =	simm.s32 $0x80;
	s3 =	sadd.s32 s3, s8  }
0xc: {  	v0 =	vimm.f32 $0.0e+00;
	v1 =	vimm.f32 $1.000000000e+00;
	s4 =	sadd.s32 s6, s8;
	s6 =	sadd.s32 s30, s31;
	s8 =	simm.s32 $0x1  }
.LBB2_1:
0xd: {  	s13 =	simm.s32 $0x0;
	s14 =	simm.s32 $0x200  }
.LBB2_2:
0xe: {  	p0 =	sne.s32 s14, $0x9E00;
	[tilespmem:s13+$0x2970] =	vst v0  }
0xf: {  	[tilespmem:s13+$0x100] =	vst v0  }
0x10: {  	[tilespmem:s13+$0x2900] =	vst v0  }
0x11: {  	[tilespmem:s13+$0x110] =	vst v0  }
0x12: {  	[tilespmem:s13+$0x2910] =	vst v0  }
0x13: {  	[tilespmem:s13+$0x120] =	vst v0  }
0x14: {  	[tilespmem:s13+$0x2920] =	vst v0  }
0x15: {  	[tilespmem:s13+$0x130] =	vst v0  }
0x16: {  	[tilespmem:s13+$0x2930] =	vst v0  }
0x17: {  	[tilespmem:s13+$0x140] =	vst v0  }
0x18: {  	[tilespmem:s13+$0x2940] =	vst v0  }
.Ltmp0:
0x19: {  	[tilespmem:s13+$0x150] =	vst v0;
	(pc) =	sbr.rel @p0 .LBB2_2-.Ltmp0, $4  }
0x1a: {  	[tilespmem:s13+$0x2950] =	vst v0  }
0x1b: {  	[tilespmem:s13+$0x160] =	vst v0  }
0x1c: {  	[tilespmem:s13+$0x2960] =	vst v0  }
0x1d: {  	[tilespmem:s13+$0x170] =	vst v0;
	s13 =	sshra.s32 s14, $0x2;
	s14 =	sadd.s32 $0x200, s14  }
0x1e: {  	[tilespmem:s13+$0x2970] =	vst v0  }
0x1f: {  	[tilespmem:s13+$0x100] =	vst v0  }
0x20: {  	[tilespmem:s13+$0x2900] =	vst v0  }
0x21: {  	[tilespmem:s13+$0x110] =	vst v0  }
0x22: {  	[tilespmem:s13+$0x2910] =	vst v0  }
0x23: {  	[tilespmem:s13+$0x120] =	vst v0  }
0x24: {  	[tilespmem:s13+$0x2920] =	vst v0  }
0x25: {  	[tilespmem:s13+$0x130] =	vst v0  }
0x26: {  	[tilespmem:s13+$0x2930] =	vst v0  }
0x27: {  	[tilespmem:s13+$0x140] =	vst v0  }
0x28: {  	[tilespmem:s13+$0x2940] =	vst v0  }
0x29: {  	[tilespmem:s13+$0x150] =	vst v0  }
0x2a: {  	[tilespmem:s13+$0x2950] =	vst v0  }
0x2b: {  	[tilespmem:s13+$0x160] =	vst v0  }
0x2c: {  	[tilespmem:s13+$0x2960] =	vst v0  }
0x2d: {  	[tilespmem:s13+$0x170] =	vst v0;
	s13 =	simm.s32 $0x0  }
.LBB2_4:
0x2e: {  	s14 =	sadd.s32 s13, s7  }
0x2f: {  	[tilespmem:s2], [sflag:$0x1] =	stream.linear.gather [hbm4b:s14+s2], $0x80, $0x38;
	[tilespmem:$0x5100] =	vst v63  }
0x30: {  	_ =	swait.ge [sflag:s8], $0x80  }
0x31: {  	[sflag:s8] =	ssyncset.done $0x0  }
0x32: {  	s31 =	sadd.s32 s13, s6;
	[sflag:s8] =	ssyncadd.s32 $0xFFFFFF80  }
0x33: {  	[tilespmem:s9], [sflag:$0x1] =	stream.linear.gather [hbm4b:s31+s2], $0x80, $0x38;
	[tilespmem:$0x5100] =	vst v63  }
0x34: {  	_ =	swait.ge [sflag:s8], $0x80  }
0x35: {  	[sflag:s8] =	ssyncset.done $0x0  }
0x36: {  	[sflag:s8] =	ssyncadd.s32 $0xFFFFFF80  }
0x37: {  	v2 =	vld [tilespmem:$0x0]  }
0x38: {  	v3 =	vld [tilespmem:$0x80];
	_ =	sdelay $0x6  }
0x39: {  	[tilespmem:v2+s10+$0x0] =	vst.idx.add.f32.msk $0xffff, v1  }
0x3a: {  	[tilespmem:v3+s11+$0x0] =	vst.idx.add.f32.msk $0xffff, v1  }
0x3b: {  	v2 =	vld [tilespmem:$0x10]  }
0x3c: {  	v3 =	vld [tilespmem:$0x90];
	_ =	sdelay $0x6  }
0x3d: {  	[tilespmem:v2+s10+$0x0] =	vst.idx.add.f32.msk $0xffff, v1  }
0x3e: {  	[tilespmem:v3+s11+$0x0] =	vst.idx.add.f32.msk $0xffff, v1  }
0x3f: {  	v2 =	vld [tilespmem:$0x20]  }
0x40: {  	v3 =	vld [tilespmem:$0xA0];
	_ =	sdelay $0x6  }
0x41: {  	[tilespmem:v2+s10+$0x0] =	vst.idx.add.f32.msk $0xffff, v1  }
0x42: {  	[tilespmem:v3+s11+$0x0] =	vst.idx.add.f32.msk $0xffff, v1  }
0x43: {  	v2 =	vld [tilespmem:$0x30]  }
0x44: {  	v3 =	vld [tilespmem:$0xB0];
	_ =	sdelay $0x6  }
0x45: {  	[tilespmem:v2+s10+$0x0] =	vst.idx.add.f32.msk $0xffff, v1  }
0x46: {  	[tilespmem:v3+s11+$0x0] =	vst.idx.add.f32.msk $0xffff, v1  }
0x47: {  	v2 =	vld [tilespmem:$0x40]  }
0x48: {  	v3 =	vld [tilespmem:$0xC0];
	_ =	sdelay $0x6  }
0x49: {  	[tilespmem:v2+s10+$0x0] =	vst.idx.add.f32.msk $0xffff, v1  }
0x4a: {  	[tilespmem:v3+s11+$0x0] =	vst.idx.add.f32.msk $0xffff, v1  }
0x4b: {  	v2 =	vld [tilespmem:$0x50]  }
0x4c: {  	v3 =	vld [tilespmem:$0xD0];
	_ =	sdelay $0x6  }
0x4d: {  	[tilespmem:v2+s10+$0x0] =	vst.idx.add.f32.msk $0xffff, v1  }
0x4e: {  	[tilespmem:v3+s11+$0x0] =	vst.idx.add.f32.msk $0xffff, v1  }
0x4f: {  	v2 =	vld [tilespmem:$0x60]  }
0x50: {  	v3 =	vld [tilespmem:$0xE0];
	_ =	sdelay $0x6  }
0x51: {  	[tilespmem:v2+s10+$0x0] =	vst.idx.add.f32.msk $0xffff, v1  }
0x52: {  	[tilespmem:v3+s11+$0x0] =	vst.idx.add.f32.msk $0xffff, v1  }
0x53: {  	v2 =	vld [tilespmem:$0x70]  }
0x54: {  	v3 =	vld [tilespmem:$0xF0];
	_ =	sdelay $0x2  }
0x55: {  	p0 =	sne.s32 s13, $0x4F0  }
.Ltmp1:
0x56: {  	_ = 	snop;
	(pc) =	sbr.rel @p0 .LBB2_4-.Ltmp1, $3  }
0x57: {  	_ =	sdelay $0x1  }
0x58: {  	[tilespmem:v2+s10+$0x0] =	vst.idx.add.f32.msk $0xffff, v1  }
0x59: {  	s13 =	sadd.s32 $0x10, s13;
	[tilespmem:v3+s11+$0x0] =	vst.idx.add.f32.msk $0xffff, v1  }
0x5a: {  	[hbm4b:s3+s2] =	stream.linear.scatter [tilespmem:s10], [sflag:$0x1], $0x2800, $0x38;
	[tilespmem:$0x5100] =	vst v63  }
0x5b: {  	s12 =	sadd.s32 $0x1, s12;
	_ =	swait.ge [sflag:s8], $0x2800  }
0x5c: {  	p0 =	sne.s32 s12, s5;
	[sflag:s8] =	ssyncset.done $0x0  }
.Ltmp2:
0x5d: {  	[sflag:s8] =	ssyncadd.s32 $0xFFFFD800;
	(pc) =	sbr.rel @p0 .LBB2_1-.Ltmp2, $4  }
0x5e: {  	[hbm4b:s4+s2] =	stream.linear.scatter [tilespmem:s11], [sflag:$0x1], $0x2800, $0x38;
	[tilespmem:$0x5100] =	vst v63  }
0x5f: {  	_ =	swait.ge [sflag:s8], $0x2800  }
0x60: {  	[sflag:s8] =	ssyncset.done $0x0  }
0x61: {  	[sflag:s8] =	ssyncadd.s32 $0xFFFFD800  }
0x62: {  	_ =	sfence.sel $0x180000  }
0x63: {  	[bflag:$0x0] =	sbarrier.arrive $0xFFFF  }
0x64: {  	p0 =	sne.s32 s1, $0x0;
	_ =	strace $0x90000047  }
0x65: {  	s0 =	sadd.s32 @!p0 $0x100000, s0;
	[bflag:$0x2] =	sbarrier.arrive $0xFFFF  }
0x66: {  	[sflag:s0] =	ssyncadd.tile.s32 @!p0 $0x1;
	_ =	shalt  }
.Lfunc_end2:
_tile_overlayer_lowered:
.L_overlay_start_2:
0x67: {  	(tag) =	ssettag $0x2  }
0x68: {  	s0 =	rddreg [dreg:$0x0];
	s2 =	stileid.u32  }
0x69: {  	s1 =	rddreg [dreg:$0x1];
	p0 =	sne.s32 s2, $0x0  }
0x6a: {  	s3 =	rddreg [dreg:$0x2];
	[bflag:$0x3] =	sbarrier.arrive $0xFFFF;
	s2 =	simm.s32 @!p0 $0x1C01  }
0x6b: {  	[timem:s3], [sflag:s2] =	dma.local @!p0 [hbm:s0], s1  }
0x6c: {  	s0 =	simm.s32 @!p0 $0x1  }
0x6d: {  	_ =	swait.ge @!p0 [sflag:s0], s1  }
0x6e: {  	s1 =	ssub.s32 @!p0 $0x0, s1;
	[sflag:s0] =	ssyncset.done @!p0 $0x0  }
0x6f: {  	[sflag:s0] =	ssyncadd.s32 @!p0 s1  }
0x70: {  	[bflag:$0x3] =	sbarrier.arrive $0xFFFF  }
0x71: {  	_ =	shalt  }

</sc_bundles>
